<compile_context>
chip_gen: v7x
topology: tpu7x:2x2x1
jax: 0.10.2.dev20260603
libtpu: 0.0.44.dev20260713+nightly
codegen_flags: <defaults>
</compile_context>

<pallas_src>
import jax
import jax.numpy as jnp
from jax.experimental import pallas as pl
from jax.experimental.pallas import tpu as pltpu
from jax.experimental.pallas import tpu_sc as plsc

_R = 16


def _sc_gather(x2d, rows, n, d):
    mesh = plsc.ScalarSubcoreMesh(axis_name="core", num_cores=2)
    half = n // 2

    @jax.jit
    @pl.kernel(
        out_type=jax.ShapeDtypeStruct((n, d), x2d.dtype),
        mesh=mesh,
        scratch_types=[
            pltpu.SMEM((n,), jnp.int32),
            pltpu.SemaphoreType.DMA,
            pltpu.SemaphoreType.DMA,
        ],
    )
    def gather_kernel(x_hbm, i_hbm, o_hbm, idx_s, sem_i, sem_o):
        c = jax.lax.axis_index("core")
        pltpu.async_copy(i_hbm, idx_s, sem_i).wait()
        base = c * half

        @pl.loop(0, half)
        def _(k):
            i = base + k
            pltpu.async_copy(x_hbm.at[idx_s[i]], o_hbm.at[i], sem_o)

        pltpu.make_async_copy(
            x_hbm.at[pl.ds(0, half)], o_hbm.at[pl.ds(base, half)], sem_o
        ).wait()

    return gather_kernel(x2d, rows)


def _tc_broadcast(compact, n, c, d):
    R = _R

    def body(c_ref, o_ref):
        for k in range(R):
            o_ref[k] = jnp.broadcast_to(c_ref[pl.ds(k, 1)], (c, d))

    out = pl.pallas_call(
        body,
        grid=(n // R,),
        in_specs=[pl.BlockSpec((R, d), lambda i: (i, 0))],
        out_specs=pl.BlockSpec((R, c, d), lambda i: (i, 0, 0)),
        out_shape=jax.ShapeDtypeStruct((n, c, d), compact.dtype),
    )(compact)
    return out


def kernel(logits, indices):
    N, C, H, W = logits.shape
    D = H * W
    x2d = logits.reshape(N * C, D)
    idx = indices.astype(jnp.int32)
    rows = jnp.arange(N, dtype=jnp.int32) * C + idx

    compact = _sc_gather(x2d, rows, N, D)
    out = _tc_broadcast(compact, N, C, D)
    return out.reshape(N, C, H, W)

# --- scband reference (transcript-rebuilt; emitter-appended) ---
"""Pipeline reference for scband-trt-demo-88699664597169 (READ-ONLY COPY).

The authoritative reference and input builder live on the scoring server;
editing this copy changes nothing except your own understanding.
"""

import jax, jax.numpy as jnp
import numpy as np


def setup_inputs(seed: int = 0) -> dict:
    key = jax.random.key(seed)
    k1, k2 = jax.random.split(key)
    logits = jax.random.normal(k1, (1024, 81, 28, 28), dtype=jnp.float32)
    indices = jax.random.randint(k2, (1024,), 0, 81, dtype=jnp.int64)
    return {"logits": logits, "indices": indices}


def reference(logits, indices):
    # index = indices.view(-1, 1, 1, 1).expand(logits.shape)
    idx = indices.reshape(-1, 1, 1, 1)
    idx = jnp.broadcast_to(idx, logits.shape)
    # results = logits.gather(1, index)
    results = jnp.take_along_axis(logits, idx, axis=1)
    return results

if __name__ == "__main__":
    import jax
    _d = setup_inputs()
    print(jax.jit(kernel)(*tuple(_d.values())))

</pallas_src>

<mosaic_0001>
#map = affine_map<(d0) -> (0, 0)>
#map1 = affine_map<(d0) -> (0)>
module attributes {stable_mosaic.version = 14 : i64} {
  func.func @gather_kernel(%arg0: i32, %arg1: memref<82944x784xf32, #tpu.memory_space<hbm>>, %arg2: memref<1024xi32, #tpu.memory_space<hbm>>, %arg3: memref<1024x784xf32, #tpu.memory_space<hbm>>, %arg4: memref<1024xi32, #tpu.memory_space<smem>>, %arg5: memref<!tpu.dma_semaphore, #tpu.memory_space<semaphore_mem>>, %arg6: memref<!tpu.dma_semaphore, #tpu.memory_space<semaphore_mem>>) attributes {dimension_semantics = [#tpu.dimension_semantics<core_parallel>], iteration_bounds = array<i64: 2>, scalar_prefetch = 0 : i64, scratch_operands = 3 : i64, tpu.core_type = #tpu.core_type<sc_scalar_subcore>, window_params = [{transform_indices = #map}, {transform_indices = #map1}, {transform_indices = #map}]} {
    tpu.enqueue_dma source(%arg2 : memref<1024xi32, #tpu.memory_space<hbm>>) target(%arg4 : memref<1024xi32, #tpu.memory_space<smem>>) target_semaphore(%arg5 : memref<!tpu.dma_semaphore, #tpu.memory_space<semaphore_mem>>)
    tpu.wait_dma2 semaphore(%arg5 : memref<!tpu.dma_semaphore, #tpu.memory_space<semaphore_mem>>) src(%arg2 : memref<1024xi32, #tpu.memory_space<hbm>>) dst(%arg4 : memref<1024xi32, #tpu.memory_space<smem>>)
    %mul3A = arith.constant 512 : i32
    %mul3A_0 = arith.muli %arg0, %mul3A : i32
    %scan3A = arith.constant 0 : i32
    %scan3A_1 = arith.constant 512 : i32
    %scan3A_2 = arith.addi %scan3A, %scan3A_1 : i32
    %scan3A_3 = arith.constant 1 : i32
    scf.for %scan3A_9 = %scan3A to %scan3A_2 step %scan3A_3  : i32 {
      %mul3A_10 = arith.constant 1 : i32
      %mul3A_11 = arith.muli %scan3A_9, %mul3A_10 : i32
      %add3A = arith.constant 0 : i32
      %add3A_12 = arith.addi %add3A, %mul3A_11 : i32
      %add3A_13 = arith.addi %mul3A_0, %add3A_12 : i32
      %get3A = arith.index_cast %add3A_13 : i32 to index
      %get3A_14 = memref.load %arg4[%get3A] : memref<1024xi32, #tpu.memory_space<smem>>
      %dma_start3A = arith.constant 0 : i32
      %dma_start3A_15 = tpu.memref_slice %arg3[%add3A_13, %dma_start3A] : memref<1024x784xf32, #tpu.memory_space<hbm>> -> memref<1x784xf32, #tpu.memory_space<hbm>>
      %dma_start3A_16 = tpu.memref_squeeze %dma_start3A_15 : memref<1x784xf32, #tpu.memory_space<hbm>> -> memref<784xf32, #tpu.memory_space<hbm>>
      %dma_start3A_17 = arith.constant 0 : i32
      %dma_start3A_18 = tpu.memref_slice %arg1[%get3A_14, %dma_start3A_17] : memref<82944x784xf32, #tpu.memory_space<hbm>> -> memref<1x784xf32, #tpu.memory_space<hbm>>
      %dma_start3A_19 = tpu.memref_squeeze %dma_start3A_18 : memref<1x784xf32, #tpu.memory_space<hbm>> -> memref<784xf32, #tpu.memory_space<hbm>>
      tpu.enqueue_dma source(%dma_start3A_19 : memref<784xf32, #tpu.memory_space<hbm>>) target(%dma_start3A_16 : memref<784xf32, #tpu.memory_space<hbm>>) target_semaphore(%arg6 : memref<!tpu.dma_semaphore, #tpu.memory_space<semaphore_mem>>)
    }
    %scan3A_4 = arith.constant 512 : i32
    %dma_wait3A = arith.constant 0 : i32
    %dma_wait3A_5 = tpu.memref_slice %arg3[%mul3A_0, %dma_wait3A] : memref<1024x784xf32, #tpu.memory_space<hbm>> -> memref<512x784xf32, #tpu.memory_space<hbm>>
    %dma_wait3A_6 = arith.constant 0 : i32
    %dma_wait3A_7 = arith.constant 0 : i32
    %dma_wait3A_8 = tpu.memref_slice %arg1[%dma_wait3A_6, %dma_wait3A_7] : memref<82944x784xf32, #tpu.memory_space<hbm>> -> memref<512x784xf32, #tpu.memory_space<hbm>>
    tpu.wait_dma2 semaphore(%arg6 : memref<!tpu.dma_semaphore, #tpu.memory_space<semaphore_mem>>) src(%dma_wait3A_8 : memref<512x784xf32, #tpu.memory_space<hbm>>) dst(%dma_wait3A_5 : memref<512x784xf32, #tpu.memory_space<hbm>>)
    return
  }
}

</mosaic_0001>

<sc_bundles>
// kernel: wrapper.3.cloned.1.call-start
scs
__scs_entry_jumppad:
0x0: {  	(pc) =	sbr.rel $0x88, $3  }
0x1: {  	(tag) =	ssettag $0x0;
	lr =	simm.s32 $0x1  }
0x2: {  	[smem:$0x3F9F] =	sst lr;
	_ =	strace $0xD0000000  }
0x3: {  	_ = 	snop  }
0x4: {  	_ = 	snop  }
0x5: {  	_ = 	snop  }
0x6: {  	_ = 	snop  }
0x7: {  	_ = 	snop  }
__scs_overlays_trampoline_lowered:
0x8: {  	[smem:$0x3FAE] =	sst s0  }
0x9: {  	[smem:$0x3FAF] =	sst s1  }
0xa: {  	[smem:$0x3FB0] =	sst s2  }
0xb: {  	[smem:$0x3FB1] =	sst s3  }
0xc: {  	[smem:$0x3FB2] =	sst s4  }
0xd: {  	[smem:$0x3FB3] =	sst s5  }
0xe: {  	[smem:$0x3FB4] =	sst s6  }
0xf: {  	[smem:$0x3FB5] =	sst s7  }
0x10: {  	[smem:$0x3FB6] =	sst s8  }
0x11: {  	[smem:$0x3FB7] =	sst s9;
	s0 =	simm.s32 @!p0 $0x0  }
0x12: {  	s1 =	sld [smem:$0x3F9D];
	s0 =	simm.s32 @p0 $0x1  }
0x13: {  	[smem:$0x3FB8] =	sst s0;
	s0 =	simm.s32 @!p1 $0x0  }
0x14: {  	s2 =	sld [smem:$0x3F9C];
	s0 =	simm.s32 @p1 $0x1  }
0x15: {  	[smem:$0x3FB9] =	sst s0;
	s0 =	simm.s32 @!p2 $0x0  }
0x16: {  	s3 =	sld [smem:$0x3FDB];
	s0 =	simm.s32 @p2 $0x1  }
0x17: {  	s4 =	simm.s32 $0x1BF5;
	[smem:$0x3FBB] =	sst s0  }
0x18: {  	s0 =	sld [smem:$0x3F9E];
	_ =	swait.ge [sflag:s4], $0x0  }
0x19: {  	s7 =	sld [smem:$0x3F9F]  }
0x1a: {  	s8 =	sadd.s32 $0xFFFFE003, lr  }
0x1b: {  	s9 =	sadd.s32 $0xFFFFFEF7, lr;
	s5 =	simm.s32 $0xFFFFFFFF;
	p2 =	slt.u32 s8, $0xFFFFF086  }
0x1c: {  	p1 =	slt.u32 s9, $0xF7A;
	s5 =	simm.s32 @!p2 $0x0  }
0x1d: {  	s5 =	simm.s32 @p1 $0x1;
	p0 =	seq.s32 s7, s2  }
0x1e: {  	s7 =	smul.u32 @!p0 $0xF7A, s2;
	p2 =	seq.s32 @!p0 s5, $0x0  }
0x1f: {  	s9 =	smul.u32 $0xF7A, s1;
	s8 =	simm.s32 @!p0 $0x1BF5;
	p2 =	por !p2, p0  }
0x20: {  	[sflag:s8] =	ssyncset.s32 @!p0 $0xFFFFF086;
	s6 =	sadd.s32 @!p0 s3, s7;
	s7 =	simm.s32 @!p0 $0x108  }
0x21: {  	s3 =	sadd.s32 s3, s9;
	s6 =	sadd.s32 @!p0 $0x88, s6;
	s7 =	simm.s32 @p2 $0x1082  }
0x22: {  	[simem:s7], [sflag:s8] =	dma.local @!p0 [hbm:s6], $0xF7A  }
0x23: {  	s9 =	sor.u32 $0xD0000000, s2;
	s6 =	simm.s32 $0x108;
	_ =	swait.ge @!p0 [sflag:s8], $0x0  }
0x24: {  	s3 =	sadd.s32 $0x88, s3;
	s6 =	simm.s32 @!p1 $0x1082;
	[sflag:s4] =	ssyncset.s32 $0xFFFFF086  }
0x25: {  	[simem:s6], [sflag:s4] =	dma.local [hbm:s3], $0xF7A  }
0x26: {  	[smem:$0x3F9F] =	sst s1;
	(tag) =	ssettag s2;
	_ =	strace s9  }
0x27: {  	s1 =	sld [smem:$0x3FAF]  }
0x28: {  	s2 =	sld [smem:$0x3FB0]  }
0x29: {  	s4 =	sld [smem:$0x3FB2]  }
0x2a: {  	p0 =	seq.s32 s5, $0x0;
	s5 =	sld [smem:$0x3FB3]  }
0x2b: {  	s6 =	sld [smem:$0x3FB4]  }
0x2c: {  	s7 =	sld [smem:$0x3FB5]  }
0x2d: {  	s3 =	simm.s32 $0x108;
	s8 =	sld [smem:$0x3FB6]  }
0x2e: {  	s3 =	simm.s32 @!p0 $0x1082;
	s9 =	sld [smem:$0x3FB7]  }
0x2f: {  	lr =	sadd.s32 s0, s3;
	s0 =	sld [smem:$0x3FAE]  }
0x30: {  	s3 =	sld [smem:$0x3FB1]  }
0x31: {  	[smem:$0x3FBA] =	sst s10  }
0x32: {  	s10 =	sld [smem:$0x3FB8];
	_ =	sdelay $0x3  }
0x33: {  	p0 =	seq.s32 s10, $0x1;
	s10 =	sld [smem:$0x3FBA];
	_ =	sdelay $0x3  }
0x34: {  	[smem:$0x3FBA] =	sst s10  }
0x35: {  	s10 =	sld [smem:$0x3FB9];
	_ =	sdelay $0x3  }
0x36: {  	p1 =	seq.s32 s10, $0x1;
	s10 =	sld [smem:$0x3FBA];
	_ =	sdelay $0x3  }
0x37: {  	[smem:$0x3FBA] =	sst s10  }
0x38: {  	s10 =	sld [smem:$0x3FBB]  }
0x39: {  	_ = 	snop;
	(pc) =	sbr.ind lr, $3  }
0x3a: {  	_ = 	snop  }
0x3b: {  	_ = 	snop  }
0x3c: {  	p2 =	seq.s32 s10, $0x1;
	s10 =	sld [smem:$0x3FBA]  }
0x3d: {  	_ =	shalt  }
0x3e: {  	_ =	shalt  }
0x3f: {  	_ =	shalt  }
0x40: {  	_ =	shalt  }
0x41: {  	_ =	shalt  }
0x42: {  	_ =	shalt  }
0x43: {  	_ =	shalt  }
0x44: {  	_ =	shalt  }
0x45: {  	_ =	shalt  }
0x46: {  	_ =	shalt  }
0x47: {  	_ =	shalt  }
0x48: {  	_ =	shalt  }
0x49: {  	_ =	shalt  }
0x4a: {  	_ =	shalt  }
0x4b: {  	_ =	shalt  }
0x4c: {  	_ =	shalt  }
0x4d: {  	_ =	shalt  }
0x4e: {  	_ =	shalt  }
0x4f: {  	_ =	shalt  }
0x50: {  	_ =	shalt  }
0x51: {  	_ =	shalt  }
0x52: {  	_ =	shalt  }
0x53: {  	_ =	shalt  }
0x54: {  	_ =	shalt  }
0x55: {  	_ =	shalt  }
0x56: {  	_ =	shalt  }
0x57: {  	_ =	shalt  }
0x58: {  	_ =	shalt  }
0x59: {  	_ =	shalt  }
0x5a: {  	_ =	shalt  }
0x5b: {  	_ =	shalt  }
0x5c: {  	_ =	shalt  }
0x5d: {  	_ =	shalt  }
0x5e: {  	_ =	shalt  }
0x5f: {  	_ =	shalt  }
0x60: {  	_ =	shalt  }
0x61: {  	_ =	shalt  }
0x62: {  	_ =	shalt  }
0x63: {  	_ =	shalt  }
0x64: {  	_ =	shalt  }
0x65: {  	_ =	shalt  }
0x66: {  	_ =	shalt  }
0x67: {  	_ =	shalt  }
0x68: {  	_ =	shalt  }
0x69: {  	_ =	shalt  }
0x6a: {  	_ =	shalt  }
0x6b: {  	_ =	shalt  }
0x6c: {  	_ =	shalt  }
0x6d: {  	_ =	shalt  }
0x6e: {  	_ =	shalt  }
0x6f: {  	_ =	shalt  }
0x70: {  	_ =	shalt  }
0x71: {  	_ =	shalt  }
0x72: {  	_ =	shalt  }
0x73: {  	_ =	shalt  }
0x74: {  	_ =	shalt  }
0x75: {  	_ =	shalt  }
0x76: {  	_ =	shalt  }
0x77: {  	_ =	shalt  }
0x78: {  	_ =	shalt  }
0x79: {  	_ =	shalt  }
0x7a: {  	_ =	shalt  }
0x7b: {  	_ =	shalt  }
0x7c: {  	_ =	shalt  }
0x7d: {  	_ =	shalt  }
0x7e: {  	_ =	shalt  }
0x7f: {  	_ =	shalt  }
0x80: {  	_ =	shalt  }
0x81: {  	_ =	shalt  }
0x82: {  	_ =	shalt  }
0x83: {  	_ =	shalt  }
0x84: {  	_ =	shalt  }
0x85: {  	_ =	shalt  }
0x86: {  	_ =	shalt  }
0x87: {  	_ =	shalt  }
.Lfunc_end0:
.L_simem_size_0:
called_computation_lowered:
.L_overlay_start_0:
0x88: {  	s2 =	sld [smem:$0x3FD9]  }
0x89: {  	s3 =	sld [smem:$0x3FFE];
	_ =	sdelay $0x1  }
0x8a: {  	s1 =	srdreg.scid  }
0x8b: {  	s0 =	sand.u32 $0x1, s1  }
0x8c: {  	s25 =	sshll.u32 s0, $0xA;
	s2 =	sadd.s32 s3, s2  }
0x8d: {  	s2 =	sadd.s32 s2, s25  }
0x8e: {  	s4 =	simm.s32 $0x0;
	[smem:$0x3FC6] =	sst s2  }
0x8f: {  	[smem:$0xF] =	sst s4  }
0x90: {  	s2 =	sld [smem:$0x3FC8];
	(tm) =	ssettm $0x1  }
0x91: {  	s26 =	sld [smem:$0x3FFB];
	_ =	sdelay $0x3  }
0x92: {  	_ =	strace s26  }
0x93: {  	s3 =	sld [smem:$0x3FFC];
	_ =	sdelay $0x3  }
0x94: {  	_ =	strace s3  }
0x95: {  	s3 =	sld [smem:$0x3FFD];
	_ =	sdelay $0x3  }
0x96: {  	_ =	strace s3  }
0x97: {  	s28 =	simm.s32 $0x1B8B;
	_ =	strace $0x8FFFFFFF  }
0x98: {  	_ =	swait.ge [sflag:s28], $0x1  }
0x99: {  	[sflag:s28] =	ssyncset.done $0x0  }
0x9a: {  	s5 =	simm.s32 $0x1B8E;
	[sflag:s28] =	ssyncadd.s32 $0xFFFFFFFF  }
0x9b: {  	s6 =	simm.s32 $0x9;
	[smem:$0x3FD2] =	sst s5  }
0x9c: {  	s30 =	simm.s32 $0x10;
	s29 =	sld [smem:$0x3FFE];
	_ =	strace $0x80000046  }
0x9d: {  	[smem:s30], [sflag:s6] =	dma.local [hbm:s2], $0x80  }
0x9e: {  	_ =	swait.ge [sflag:s6], $0x80  }
0x9f: {  	s5 =	sshll.u32 s0, $0x9;
	[sflag:s6] =	ssyncset.done $0x0  }
0xa0: {  	s8 =	sor.u32 $0x10, s5;
	[sflag:s6] =	ssyncadd.s32 $0xFFFFFF80  }
0xa1: {  	s6 =	sld [smem:s8+$0x0];
	_ =	sdelay $0x2  }
0xa2: {  	s31 =	sshrl.u32 s5, $0x3  }
0xa3: {  	s7 =	smul.u32 $0x1C00, s31;
	s9 =	sshrl.u32 s6, $0x3  }
0xa4: {  	s10 =	sand.u32 $0x380, s4;
	s6 =	sshll.u32 s6, $0x7;
	s9 =	smul.u32 $0x1C00, s9  }
0xa5: {  	s4 =	simm.s32 $0x1;
	s2 =	sadd.s32 $0x400, s29;
	s6 =	sand.u32 $0x380, s6  }
0xa6: {  	s3 =	sadd.s32 $0x8DC400, s29;
	s7 =	sor.u32 s10, s7;
	s9 =	sor.u32 s6, s9  }
0xa7: {  	s10 =	sshrl.u32 s7, $0x3;
	s7 =	simm.s32 $0xA;
	s9 =	sshrl.u32 s9, $0x3  }
0xa8: {  	s10 =	sadd.s32 s3, s10;
	s6 =	simm.s32 $0x80;
	s9 =	sadd.s32 s2, s9  }
0xa9: {  	[hbm:s10@s6], [sflag:s7] =	dma.strided [hbm:s9@s6], $0x70, s4, $0x10   }
0xaa: {  	s9 =	sadd.s32 $0x1, s8  }
0xab: {  	s8 =	simm.s32 $0x80;
	s10 =	simm.s32 $0x100;
	s11 =	sld [smem:s9+$0x0]  }
.LBB1_1:
0xac: {  	p0 =	sne.s32 s10, $0xFF80  }
0xad: {  	s5 =	sadd.s32 $0x1, s5  }
0xae: {  	s12 =	sshrl.u32 s5, $0x3  }
0xaf: {  	s12 =	smul.u32 $0x1C00, s12;
	s13 =	sshrl.u32 s11, $0x3  }
0xb0: {  	s11 =	sshll.u32 s11, $0x7;
	s13 =	smul.u32 $0x1C00, s13  }
0xb1: {  	s14 =	sand.u32 $0x380, s8;
	s8 =	smov.u32 s10;
	s11 =	sand.u32 $0x380, s11  }
0xb2: {  	s12 =	sor.u32 s14, s12;
	s11 =	sor.u32 s11, s13  }
.Ltmp0:
0xb3: {  	s12 =	sshrl.u32 s12, $0x3;
	s11 =	sshrl.u32 s11, $0x3;
	(pc) =	sbr.rel @p0 .LBB1_1-.Ltmp0, $3  }
0xb4: {  	s9 =	sadd.s32 $0x1, s9;
	s12 =	sadd.s32 s3, s12;
	s11 =	sadd.s32 s2, s11  }
0xb5: {  	[hbm:s12@s6], [sflag:s7] =	dma.strided [hbm:s11@s6], $0x70, s4, $0x10   }
0xb6: {  	s10 =	sadd.s32 $0x80, s10;
	s11 =	sld [smem:s9+$0x0]  }
0xb7: {  	_ = 	snop  }
0xb8: {  	s5 =	sadd.s32 $0x1, s5  }
0xb9: {  	s5 =	sshrl.u32 s5, $0x3  }
0xba: {  	s5 =	smul.u32 $0x1C00, s5;
	s9 =	sshrl.u32 s11, $0x3  }
0xbb: {  	s10 =	sshll.u32 s11, $0x7;
	s9 =	smul.u32 $0x1C00, s9  }
0xbc: {  	s8 =	sand.u32 $0x380, s8;
	s10 =	sand.u32 $0x380, s10  }
0xbd: {  	s5 =	sor.u32 s8, s5;
	s26 =	sor.u32 s10, s9  }
0xbe: {  	s5 =	sshrl.u32 s5, $0x3;
	s8 =	sshrl.u32 s26, $0x3  }
0xbf: {  	s28 =	simm.s32 $0xA;
	s3 =	sadd.s32 s3, s5;
	s2 =	sadd.s32 s2, s8  }
0xc0: {  	[hbm:s3@s6], [sflag:s7] =	dma.strided [hbm:s2@s6], $0x70, s4, $0x10   }
0xc1: {  	_ =	swait.ge [sflag:s28], $0xE000  }
0xc2: {  	[sflag:s28] =	ssyncset.done $0x0  }
0xc3: {  	[sflag:s28] =	ssyncadd.s32 $0xFFFF2000  }
0xc4: {  	_ =	strace $0x90000046  }
0xc5: {  	_ =	sfence  }
0xc6: {  	s29 =	sld [smem:$0x0];
	_ =	sdelay $0x2  }
0xc7: {  	s30 =	sshll.u32 s1, $0xD;
	s31 =	sshrl.u32 s1, $0x2  }
0xc8: {  	s3 =	sand.u32 $0x4000, s30;
	s1 =	sadd.s32 s31, s29  }
0xc9: {  	s0 =	sor.u32 s3, s0;
	s1 =	sshll.u32 s1, $0x11  }
0xca: {  	s0 =	sor.u32 s1, s0  }
0xcb: {  	s0 =	sadd.s32 $0x8F2B, s0;
	(pc) =	sbr.abs _section_cstart, $3  }
0xcc: {  	[sflag:s0] =	ssyncadd.remote.s32 $0x1  }
0xcd: {  	_ =	strace $0x9FFFFFFF  }
0xce: {  	(tm) =	ssettm $0x7FFFFFFF  }
0xcf: {  	_ =	shalt  }

</sc_bundles>
